<compile_context>
chip_gen: v7x
topology: tpu7x:2x2x1
jax: 0.10.2.dev20260603
libtpu: 0.0.44.dev20260713+nightly
codegen_flags: <defaults>
</compile_context>

<pallas_src>
import functools

import jax
import jax.numpy as jnp
from jax import lax
from jax.experimental import pallas as pl
from jax.experimental.pallas import tpu as pltpu
from jax.experimental.pallas import tpu_sc as plsc

NC = 2
NS = 16
L = 16
NW = NC * NS

F = 5
TPAD = 128


def _encoder_grid(n_idx, chunk):
    per_w = n_idx // NW
    n_chunks = per_w // chunk
    mesh = plsc.VectorSubcoreMesh(core_axis_name="c", subcore_axis_name="s")

    @functools.partial(
        pl.kernel,
        mesh=mesh,
        out_type=jax.ShapeDtypeStruct((n_idx * F,), jnp.float32),
        compiler_params=pltpu.CompilerParams(needs_layout_passes=False),
        scratch_types=[
            pltpu.VMEM((chunk,), jnp.int32),
            pltpu.VMEM((chunk * F,), jnp.float32),
            pltpu.VMEM((TPAD,), jnp.float32),
            pltpu.VMEM((TPAD,), jnp.float32),
            pltpu.VMEM((TPAD,), jnp.float32),
            pltpu.VMEM((TPAD,), jnp.float32),
        ],
    )
    def enc(idx_hbm, tab_hbm, mean_hbm, scale_hbm, out_hbm,
            idx_v, out_v, tab_v, mean_v, scale_v, norm_v):
        wid = lax.axis_index("s") * NC + lax.axis_index("c")
        base = wid * per_w

        pltpu.sync_copy(tab_hbm, tab_v)
        pltpu.sync_copy(mean_hbm, mean_v)
        pltpu.sync_copy(scale_hbm, scale_v)
        for k in range(TPAD // L):
            s = pl.ds(k * L, L)
            norm_v[s] = (tab_v[s] - mean_v[s]) / scale_v[s]

        lane = lax.iota(jnp.int32, L)
        qr = []
        for v in range(F):
            j = lane + v * L
            q = lax.shift_right_logical(j * 205, 10)
            r = j - q * 5
            qr.append((q, r))

        def chunk_body(g, _):
            off = base + g * chunk
            pltpu.sync_copy(idx_hbm.at[pl.ds(off, chunk)], idx_v)

            def group_body(i, _):
                i16 = i * L
                for v in range(F):
                    q, r = qr[v]
                    ids = plsc.load_gather(idx_v, [q + i16])
                    vals = plsc.load_gather(norm_v, [ids * F + r])
                    out_v[pl.ds(i * (L * F) + v * L, L)] = vals
                return 0

            lax.fori_loop(0, chunk // L, group_body, 0)
            pltpu.sync_copy(out_v, out_hbm.at[pl.ds(off * F, chunk * F)])
            return 0

        lax.fori_loop(0, n_chunks, chunk_body, 0)

    return enc


def kernel(indices, aa_feature_table, mean_tensor, scale_tensor):
    b, l = indices.shape
    n_idx = b * l
    idx_flat = indices.reshape(n_idx).astype(jnp.int32)

    tab_flat = jnp.pad(aa_feature_table.reshape(-1), (0, TPAD - 22 * F))
    mean_flat = jnp.pad(jnp.tile(mean_tensor, 22), (0, TPAD - 22 * F))
    scale_flat = jnp.pad(jnp.tile(scale_tensor, 22), (0, TPAD - 22 * F),
                         constant_values=1.0)

    enc = _encoder_grid(n_idx, chunk=4096)
    out_flat = enc(idx_flat, tab_flat, mean_flat, scale_flat)
    return out_flat.reshape(b, l, F)

# --- scband reference (transcript-rebuilt; emitter-appended) ---
"""Pipeline reference for scband-physicochemical-encoder-53893249630236 (READ-ONLY COPY).

The authoritative reference and input builder live on the scoring server;
editing this copy changes nothing except your own understanding.
"""

import jax, jax.numpy as jnp
import numpy as np

BASIC_PROPS = {'A': [1.8, 0.0, 88.6, 0.36, 0.0], 'C': [2.5, 0.0, 108.5, 0.35, 0.0], 'D': [-3.5, -1.0, 111.1, 0.51, 0.0], 'E': [-3.5, -1.0, 138.4, 0.5, 0.0], 'F': [2.8, 0.0, 189.9, 0.31, 1.0], 'G': [-0.4, 0.0, 60.1, 0.54, 0.0], 'H': [-3.2, 0.5, 153.2, 0.32, 0.5], 'I': [4.5, 0.0, 166.7, 0.46, 0.0], 'K': [-3.9, 1.0, 168.6, 0.47, 0.0], 'L': [3.8, 0.0, 166.7, 0.37, 0.0], 'M': [1.9, 0.0, 162.9, 0.3, 0.0], 'N': [-3.5, 0.0, 114.1, 0.46, 0.0], 'P': [-1.6, 0.0, 112.7, 0.51, 0.0], 'Q': [-3.5, 0.0, 143.8, 0.49, 0.0], 'R': [-4.5, 1.0, 173.4, 0.53, 0.0], 'S': [-0.8, 0.0, 89.0, 0.51, 0.0], 'T': [-0.7, 0.0, 116.1, 0.44, 0.0], 'V': [4.2, 0.0, 140.0, 0.39, 0.0], 'W': [-0.9, 0.0, 227.8, 0.31, 1.0], 'Y': [-1.3, 0.0, 193.6, 0.42, 1.0], 'X': [0.0, 0.0, 120.0, 0.4, 0.0]}


def _build_params():
    aa_list = sorted(BASIC_PROPS.keys())  # 21 AAs; pad_idx = 21
    table = np.array([BASIC_PROPS[aa] for aa in aa_list], dtype=np.float32)
    table = np.concatenate([table, np.zeros((1, 5), dtype=np.float32)], axis=0)  # [22, 5]
    # StandardScaler fit on the 20 canonical AAs in this fixed order
    fit_rows = np.array([BASIC_PROPS[aa] for aa in 'ARNDCQEGHILKMFPSTWYV'], dtype=np.float64)
    mean = fit_rows.mean(axis=0)
    scale = fit_rows.std(axis=0)  # sklearn StandardScaler uses population std (ddof=0)
    scale = np.where(scale == 0.0, 1.0, scale)
    return (jnp.asarray(table, dtype=jnp.float32),
            jnp.asarray(mean, dtype=jnp.float32),
            jnp.asarray(scale, dtype=jnp.float32))


def setup_inputs(seed: int = 0) -> dict:
    key = jax.random.key(seed)
    indices = jax.random.randint(key, (4096, 512), 0, 22, dtype=jnp.int64) if jax.config.jax_enable_x64 else jax.random.randint(key, (4096, 512), 0, 22, dtype=jnp.int32)
    table, mean, scale = _build_params()
    return {"indices": indices, "aa_feature_table": table, "mean_tensor": mean, "scale_tensor": scale}


def reference(indices, aa_feature_table, mean_tensor, scale_tensor):
    # gather: props = table[idx]  -> [B, L, n_features]
    props = jnp.take(aa_feature_table, indices, axis=0)
    props = (props - mean_tensor) / scale_tensor
    return props

if __name__ == "__main__":
    import jax
    _d = setup_inputs()
    print(jax.jit(kernel)(*tuple(_d.values())))

</pallas_src>

<mosaic_0001>
#map = affine_map<(d0, d1) -> (0)>
module attributes {stable_mosaic.version = 14 : i64} {
  func.func @enc(%arg0: i32, %arg1: i32, %arg2: memref<2097152xi32, #tpu.memory_space<hbm>>, %arg3: memref<128xf32, #tpu.memory_space<hbm>>, %arg4: memref<128xf32, #tpu.memory_space<hbm>>, %arg5: memref<128xf32, #tpu.memory_space<hbm>>, %arg6: memref<10485760xf32, #tpu.memory_space<hbm>>, %arg7: memref<4096xi32, #tpu.memory_space<vmem>>, %arg8: memref<20480xf32, #tpu.memory_space<vmem>>, %arg9: memref<128xf32, #tpu.memory_space<vmem>>, %arg10: memref<128xf32, #tpu.memory_space<vmem>>, %arg11: memref<128xf32, #tpu.memory_space<vmem>>, %arg12: memref<128xf32, #tpu.memory_space<vmem>>) attributes {dimension_semantics = [#tpu.dimension_semantics<core_parallel>, #tpu.dimension_semantics<subcore_parallel>], iteration_bounds = array<i64: 2, 16>, scalar_prefetch = 0 : i64, scratch_operands = 6 : i64, tpu.core_type = #tpu.core_type<sc_vector_subcore>, window_params = [{transform_indices = #map}, {transform_indices = #map}, {transform_indices = #map}, {transform_indices = #map}, {transform_indices = #map}]} {
    %mul3A = arith.constant 2 : i32
    %mul3A_0 = arith.muli %arg1, %mul3A : i32
    %add3A = arith.addi %mul3A_0, %arg0 : i32
    %mul3A_1 = arith.constant 65536 : i32
    %mul3A_2 = arith.muli %add3A, %mul3A_1 : i32
    "tpu.region"() ({
      %run_scoped3A = tpu.sem_alloc : memref<!tpu.dma_semaphore, #tpu.memory_space<semaphore_mem>>
      tpu.enqueue_dma source(%arg3 : memref<128xf32, #tpu.memory_space<hbm>>) target(%arg9 : memref<128xf32, #tpu.memory_space<vmem>>) target_semaphore(%run_scoped3A : memref<!tpu.dma_semaphore, #tpu.memory_space<semaphore_mem>>)
      tpu.wait_dma2 semaphore(%run_scoped3A : memref<!tpu.dma_semaphore, #tpu.memory_space<semaphore_mem>>) src(%arg3 : memref<128xf32, #tpu.memory_space<hbm>>) dst(%arg9 : memref<128xf32, #tpu.memory_space<vmem>>)
      tpu.yield
    }) : () -> ()
    "tpu.region"() ({
      %run_scoped3A = tpu.sem_alloc : memref<!tpu.dma_semaphore, #tpu.memory_space<semaphore_mem>>
      tpu.enqueue_dma source(%arg4 : memref<128xf32, #tpu.memory_space<hbm>>) target(%arg10 : memref<128xf32, #tpu.memory_space<vmem>>) target_semaphore(%run_scoped3A : memref<!tpu.dma_semaphore, #tpu.memory_space<semaphore_mem>>)
      tpu.wait_dma2 semaphore(%run_scoped3A : memref<!tpu.dma_semaphore, #tpu.memory_space<semaphore_mem>>) src(%arg4 : memref<128xf32, #tpu.memory_space<hbm>>) dst(%arg10 : memref<128xf32, #tpu.memory_space<vmem>>)
      tpu.yield
    }) : () -> ()
    "tpu.region"() ({
      %run_scoped3A = tpu.sem_alloc : memref<!tpu.dma_semaphore, #tpu.memory_space<semaphore_mem>>
      tpu.enqueue_dma source(%arg5 : memref<128xf32, #tpu.memory_space<hbm>>) target(%arg11 : memref<128xf32, #tpu.memory_space<vmem>>) target_semaphore(%run_scoped3A : memref<!tpu.dma_semaphore, #tpu.memory_space<semaphore_mem>>)
      tpu.wait_dma2 semaphore(%run_scoped3A : memref<!tpu.dma_semaphore, #tpu.memory_space<semaphore_mem>>) src(%arg5 : memref<128xf32, #tpu.memory_space<hbm>>) dst(%arg11 : memref<128xf32, #tpu.memory_space<vmem>>)
      tpu.yield
    }) : () -> ()
    %get3A = arith.constant 0 : index
    %get3A_3 = tpu.vector_load %arg9[%get3A] {strides = array<i32>} : memref<128xf32, #tpu.memory_space<vmem>>, vector<16xf32>,
    %get3A_4 = arith.constant 0 : index
    %get3A_5 = tpu.vector_load %arg10[%get3A_4] {strides = array<i32>} : memref<128xf32, #tpu.memory_space<vmem>>, vector<16xf32>,
    %sub3A = arith.subf %get3A_3, %get3A_5 : vector<16xf32>
    %get3A_6 = arith.constant 0 : index
    %get3A_7 = tpu.vector_load %arg11[%get3A_6] {strides = array<i32>} : memref<128xf32, #tpu.memory_space<vmem>>, vector<16xf32>,
    %div3A = arith.divf %sub3A, %get3A_7 : vector<16xf32>
    %swap3A = arith.constant 0 : index
    %swap3A_8 = tpu.vector_load %arg12[%swap3A] {strides = array<i32>} : memref<128xf32, #tpu.memory_space<vmem>>, vector<16xf32>,
    tpu.vector_store %arg12[%swap3A], %div3A {strides = array<i32>} : memref<128xf32, #tpu.memory_space<vmem>>, vector<16xf32>,
    %get3A_9 = arith.constant 16 : index
    %get3A_10 = tpu.vector_load %arg9[%get3A_9] {strides = array<i32>} : memref<128xf32, #tpu.memory_space<vmem>>, vector<16xf32>,
    %get3A_11 = arith.constant 16 : index
    %get3A_12 = tpu.vector_load %arg10[%get3A_11] {strides = array<i32>} : memref<128xf32, #tpu.memory_space<vmem>>, vector<16xf32>,
    %sub3A_13 = arith.subf %get3A_10, %get3A_12 : vector<16xf32>
    %get3A_14 = arith.constant 16 : index
    %get3A_15 = tpu.vector_load %arg11[%get3A_14] {strides = array<i32>} : memref<128xf32, #tpu.memory_space<vmem>>, vector<16xf32>,
    %div3A_16 = arith.divf %sub3A_13, %get3A_15 : vector<16xf32>
    %swap3A_17 = arith.constant 16 : index
    %swap3A_18 = tpu.vector_load %arg12[%swap3A_17] {strides = array<i32>} : memref<128xf32, #tpu.memory_space<vmem>>, vector<16xf32>,
    tpu.vector_store %arg12[%swap3A_17], %div3A_16 {strides = array<i32>} : memref<128xf32, #tpu.memory_space<vmem>>, vector<16xf32>,
    %get3A_19 = arith.constant 32 : index
    %get3A_20 = tpu.vector_load %arg9[%get3A_19] {strides = array<i32>} : memref<128xf32, #tpu.memory_space<vmem>>, vector<16xf32>,
    %get3A_21 = arith.constant 32 : index
    %get3A_22 = tpu.vector_load %arg10[%get3A_21] {strides = array<i32>} : memref<128xf32, #tpu.memory_space<vmem>>, vector<16xf32>,
    %sub3A_23 = arith.subf %get3A_20, %get3A_22 : vector<16xf32>
    %get3A_24 = arith.constant 32 : index
    %get3A_25 = tpu.vector_load %arg11[%get3A_24] {strides = array<i32>} : memref<128xf32, #tpu.memory_space<vmem>>, vector<16xf32>,
    %div3A_26 = arith.divf %sub3A_23, %get3A_25 : vector<16xf32>
    %swap3A_27 = arith.constant 32 : index
    %swap3A_28 = tpu.vector_load %arg12[%swap3A_27] {strides = array<i32>} : memref<128xf32, #tpu.memory_space<vmem>>, vector<16xf32>,
    tpu.vector_store %arg12[%swap3A_27], %div3A_26 {strides = array<i32>} : memref<128xf32, #tpu.memory_space<vmem>>, vector<16xf32>,
    %get3A_29 = arith.constant 48 : index
    %get3A_30 = tpu.vector_load %arg9[%get3A_29] {strides = array<i32>} : memref<128xf32, #tpu.memory_space<vmem>>, vector<16xf32>,
    %get3A_31 = arith.constant 48 : index
    %get3A_32 = tpu.vector_load %arg10[%get3A_31] {strides = array<i32>} : memref<128xf32, #tpu.memory_space<vmem>>, vector<16xf32>,
    %sub3A_33 = arith.subf %get3A_30, %get3A_32 : vector<16xf32>
    %get3A_34 = arith.constant 48 : index
    %get3A_35 = tpu.vector_load %arg11[%get3A_34] {strides = array<i32>} : memref<128xf32, #tpu.memory_space<vmem>>, vector<16xf32>,
    %div3A_36 = arith.divf %sub3A_33, %get3A_35 : vector<16xf32>
    %swap3A_37 = arith.constant 48 : index
    %swap3A_38 = tpu.vector_load %arg12[%swap3A_37] {strides = array<i32>} : memref<128xf32, #tpu.memory_space<vmem>>, vector<16xf32>,
    tpu.vector_store %arg12[%swap3A_37], %div3A_36 {strides = array<i32>} : memref<128xf32, #tpu.memory_space<vmem>>, vector<16xf32>,
    %get3A_39 = arith.constant 64 : index
    %get3A_40 = tpu.vector_load %arg9[%get3A_39] {strides = array<i32>} : memref<128xf32, #tpu.memory_space<vmem>>, vector<16xf32>,
    %get3A_41 = arith.constant 64 : index
    %get3A_42 = tpu.vector_load %arg10[%get3A_41] {strides = array<i32>} : memref<128xf32, #tpu.memory_space<vmem>>, vector<16xf32>,
    %sub3A_43 = arith.subf %get3A_40, %get3A_42 : vector<16xf32>
    %get3A_44 = arith.constant 64 : index
    %get3A_45 = tpu.vector_load %arg11[%get3A_44] {strides = array<i32>} : memref<128xf32, #tpu.memory_space<vmem>>, vector<16xf32>,
    %div3A_46 = arith.divf %sub3A_43, %get3A_45 : vector<16xf32>
    %swap3A_47 = arith.constant 64 : index
    %swap3A_48 = tpu.vector_load %arg12[%swap3A_47] {strides = array<i32>} : memref<128xf32, #tpu.memory_space<vmem>>, vector<16xf32>,
    tpu.vector_store %arg12[%swap3A_47], %div3A_46 {strides = array<i32>} : memref<128xf32, #tpu.memory_space<vmem>>, vector<16xf32>,
    %get3A_49 = arith.constant 80 : index
    %get3A_50 = tpu.vector_load %arg9[%get3A_49] {strides = array<i32>} : memref<128xf32, #tpu.memory_space<vmem>>, vector<16xf32>,
    %get3A_51 = arith.constant 80 : index
    %get3A_52 = tpu.vector_load %arg10[%get3A_51] {strides = array<i32>} : memref<128xf32, #tpu.memory_space<vmem>>, vector<16xf32>,
    %sub3A_53 = arith.subf %get3A_50, %get3A_52 : vector<16xf32>
    %get3A_54 = arith.constant 80 : index
    %get3A_55 = tpu.vector_load %arg11[%get3A_54] {strides = array<i32>} : memref<128xf32, #tpu.memory_space<vmem>>, vector<16xf32>,
    %div3A_56 = arith.divf %sub3A_53, %get3A_55 : vector<16xf32>
    %swap3A_57 = arith.constant 80 : index
    %swap3A_58 = tpu.vector_load %arg12[%swap3A_57] {strides = array<i32>} : memref<128xf32, #tpu.memory_space<vmem>>, vector<16xf32>,
    tpu.vector_store %arg12[%swap3A_57], %div3A_56 {strides = array<i32>} : memref<128xf32, #tpu.memory_space<vmem>>, vector<16xf32>,
    %get3A_59 = arith.constant 96 : index
    %get3A_60 = tpu.vector_load %arg9[%get3A_59] {strides = array<i32>} : memref<128xf32, #tpu.memory_space<vmem>>, vector<16xf32>,
    %get3A_61 = arith.constant 96 : index
    %get3A_62 = tpu.vector_load %arg10[%get3A_61] {strides = array<i32>} : memref<128xf32, #tpu.memory_space<vmem>>, vector<16xf32>,
    %sub3A_63 = arith.subf %get3A_60, %get3A_62 : vector<16xf32>
    %get3A_64 = arith.constant 96 : index
    %get3A_65 = tpu.vector_load %arg11[%get3A_64] {strides = array<i32>} : memref<128xf32, #tpu.memory_space<vmem>>, vector<16xf32>,
    %div3A_66 = arith.divf %sub3A_63, %get3A_65 : vector<16xf32>
    %swap3A_67 = arith.constant 96 : index
    %swap3A_68 = tpu.vector_load %arg12[%swap3A_67] {strides = array<i32>} : memref<128xf32, #tpu.memory_space<vmem>>, vector<16xf32>,
    tpu.vector_store %arg12[%swap3A_67], %div3A_66 {strides = array<i32>} : memref<128xf32, #tpu.memory_space<vmem>>, vector<16xf32>,
    %get3A_69 = arith.constant 112 : index
    %get3A_70 = tpu.vector_load %arg9[%get3A_69] {strides = array<i32>} : memref<128xf32, #tpu.memory_space<vmem>>, vector<16xf32>,
    %get3A_71 = arith.constant 112 : index
    %get3A_72 = tpu.vector_load %arg10[%get3A_71] {strides = array<i32>} : memref<128xf32, #tpu.memory_space<vmem>>, vector<16xf32>,
    %sub3A_73 = arith.subf %get3A_70, %get3A_72 : vector<16xf32>
    %get3A_74 = arith.constant 112 : index
    %get3A_75 = tpu.vector_load %arg11[%get3A_74] {strides = array<i32>} : memref<128xf32, #tpu.memory_space<vmem>>, vector<16xf32>,
    %div3A_76 = arith.divf %sub3A_73, %get3A_75 : vector<16xf32>
    %swap3A_77 = arith.constant 112 : index
    %swap3A_78 = tpu.vector_load %arg12[%swap3A_77] {strides = array<i32>} : memref<128xf32, #tpu.memory_space<vmem>>, vector<16xf32>,
    tpu.vector_store %arg12[%swap3A_77], %div3A_76 {strides = array<i32>} : memref<128xf32, #tpu.memory_space<vmem>>, vector<16xf32>,
    %iota3A = tpu.iota {dimensions = array<i32: 0>} : vector<16xi32>
    %add3A_79 = arith.constant 0 : i32
    %add3A_80 = vector.broadcast %add3A_79 : i32 to vector<16xi32>
    %add3A_81 = arith.addi %iota3A, %add3A_80 : vector<16xi32>
    %mul3A_82 = arith.constant 205 : i32
    %mul3A_83 = vector.broadcast %mul3A_82 : i32 to vector<16xi32>
    %mul3A_84 = arith.muli %add3A_81, %mul3A_83 : vector<16xi32>
    %shift_right_logical3A = arith.constant 10 : i32
    %shift_right_logical3A_85 = vector.broadcast %shift_right_logical3A : i32 to vector<16xi32>
    %shift_right_logical3A_86 = arith.shrui %mul3A_84, %shift_right_logical3A_85 : vector<16xi32>
    %mul3A_87 = arith.constant 5 : i32
    %mul3A_88 = vector.broadcast %mul3A_87 : i32 to vector<16xi32>
    %mul3A_89 = arith.muli %shift_right_logical3A_86, %mul3A_88 : vector<16xi32>
    %sub3A_90 = arith.subi %add3A_81, %mul3A_89 : vector<16xi32>
    %add3A_91 = arith.constant 16 : i32
    %add3A_92 = vector.broadcast %add3A_91 : i32 to vector<16xi32>
    %add3A_93 = arith.addi %iota3A, %add3A_92 : vector<16xi32>
    %mul3A_94 = arith.constant 205 : i32
    %mul3A_95 = vector.broadcast %mul3A_94 : i32 to vector<16xi32>
    %mul3A_96 = arith.muli %add3A_93, %mul3A_95 : vector<16xi32>
    %shift_right_logical3A_97 = arith.constant 10 : i32
    %shift_right_logical3A_98 = vector.broadcast %shift_right_logical3A_97 : i32 to vector<16xi32>
    %shift_right_logical3A_99 = arith.shrui %mul3A_96, %shift_right_logical3A_98 : vector<16xi32>
    %mul3A_100 = arith.constant 5 : i32
    %mul3A_101 = vector.broadcast %mul3A_100 : i32 to vector<16xi32>
    %mul3A_102 = arith.muli %shift_right_logical3A_99, %mul3A_101 : vector<16xi32>
    %sub3A_103 = arith.subi %add3A_93, %mul3A_102 : vector<16xi32>
    %add3A_104 = arith.constant 32 : i32
    %add3A_105 = vector.broadcast %add3A_104 : i32 to vector<16xi32>
    %add3A_106 = arith.addi %iota3A, %add3A_105 : vector<16xi32>
    %mul3A_107 = arith.constant 205 : i32
    %mul3A_108 = vector.broadcast %mul3A_107 : i32 to vector<16xi32>
    %mul3A_109 = arith.muli %add3A_106, %mul3A_108 : vector<16xi32>
    %shift_right_logical3A_110 = arith.constant 10 : i32
    %shift_right_logical3A_111 = vector.broadcast %shift_right_logical3A_110 : i32 to vector<16xi32>
    %shift_right_logical3A_112 = arith.shrui %mul3A_109, %shift_right_logical3A_111 : vector<16xi32>
    %mul3A_113 = arith.constant 5 : i32
    %mul3A_114 = vector.broadcast %mul3A_113 : i32 to vector<16xi32>
    %mul3A_115 = arith.muli %shift_right_logical3A_112, %mul3A_114 : vector<16xi32>
    %sub3A_116 = arith.subi %add3A_106, %mul3A_115 : vector<16xi32>
    %add3A_117 = arith.constant 48 : i32
    %add3A_118 = vector.broadcast %add3A_117 : i32 to vector<16xi32>
    %add3A_119 = arith.addi %iota3A, %add3A_118 : vector<16xi32>
    %mul3A_120 = arith.constant 205 : i32
    %mul3A_121 = vector.broadcast %mul3A_120 : i32 to vector<16xi32>
    %mul3A_122 = arith.muli %add3A_119, %mul3A_121 : vector<16xi32>
    %shift_right_logical3A_123 = arith.constant 10 : i32
    %shift_right_logical3A_124 = vector.broadcast %shift_right_logical3A_123 : i32 to vector<16xi32>
    %shift_right_logical3A_125 = arith.shrui %mul3A_122, %shift_right_logical3A_124 : vector<16xi32>
    %mul3A_126 = arith.constant 5 : i32
    %mul3A_127 = vector.broadcast %mul3A_126 : i32 to vector<16xi32>
    %mul3A_128 = arith.muli %shift_right_logical3A_125, %mul3A_127 : vector<16xi32>
    %sub3A_129 = arith.subi %add3A_119, %mul3A_128 : vector<16xi32>
    %add3A_130 = arith.constant 64 : i32
    %add3A_131 = vector.broadcast %add3A_130 : i32 to vector<16xi32>
    %add3A_132 = arith.addi %iota3A, %add3A_131 : vector<16xi32>
    %mul3A_133 = arith.constant 205 : i32
    %mul3A_134 = vector.broadcast %mul3A_133 : i32 to vector<16xi32>
    %mul3A_135 = arith.muli %add3A_132, %mul3A_134 : vector<16xi32>
    %shift_right_logical3A_136 = arith.constant 10 : i32
    %shift_right_logical3A_137 = vector.broadcast %shift_right_logical3A_136 : i32 to vector<16xi32>
    %shift_right_logical3A_138 = arith.shrui %mul3A_135, %shift_right_logical3A_137 : vector<16xi32>
    %mul3A_139 = arith.constant 5 : i32
    %mul3A_140 = vector.broadcast %mul3A_139 : i32 to vector<16xi32>
    %mul3A_141 = arith.muli %shift_right_logical3A_138, %mul3A_140 : vector<16xi32>
    %sub3A_142 = arith.subi %add3A_132, %mul3A_141 : vector<16xi32>
    %scan3A = arith.constant 0 : i32
    %scan3A_143 = arith.constant 0 : i32
    %scan3A_144 = arith.constant 16 : i32
    %scan3A_145 = arith.addi %scan3A_143, %scan3A_144 : i32
    %scan3A_146 = arith.constant 1 : i32
    %scan3A_147 = scf.for %scan3A_149 = %scan3A_143 to %scan3A_145 step %scan3A_146 iter_args(%scan3A_150 = %scan3A) -> (i32)  : i32 {
      %mul3A_151 = arith.constant 4096 : i32
      %mul3A_152 = arith.muli %scan3A_149, %mul3A_151 : i32
      %add3A_153 = arith.addi %mul3A_2, %mul3A_152 : i32
      "tpu.region"() ({
        %run_scoped3A = tpu.sem_alloc : memref<!tpu.dma_semaphore, #tpu.memory_space<semaphore_mem>>
        %dma_start3A = tpu.memref_slice %arg2[%add3A_153] : memref<2097152xi32, #tpu.memory_space<hbm>> -> memref<4096xi32, #tpu.memory_space<hbm>>
        %dma_start3A_164 = tpu.memref_slice %arg2[%add3A_153] : memref<2097152xi32, #tpu.memory_space<hbm>> -> memref<4096xi32, #tpu.memory_space<hbm>>
        tpu.enqueue_dma source(%dma_start3A_164 : memref<4096xi32, #tpu.memory_space<hbm>>) target(%arg7 : memref<4096xi32, #tpu.memory_space<vmem>>) target_semaphore(%run_scoped3A : memref<!tpu.dma_semaphore, #tpu.memory_space<semaphore_mem>>)
        %dma_wait3A = tpu.memref_slice %arg2[%add3A_153] : memref<2097152xi32, #tpu.memory_space<hbm>> -> memref<4096xi32, #tpu.memory_space<hbm>>
        %dma_wait3A_165 = tpu.memref_slice %arg2[%add3A_153] : memref<2097152xi32, #tpu.memory_space<hbm>> -> memref<4096xi32, #tpu.memory_space<hbm>>
        tpu.wait_dma2 semaphore(%run_scoped3A : memref<!tpu.dma_semaphore, #tpu.memory_space<semaphore_mem>>) src(%dma_wait3A_165 : memref<4096xi32, #tpu.memory_space<hbm>>) dst(%arg7 : memref<4096xi32, #tpu.memory_space<vmem>>)
        tpu.yield
      }) : () -> ()
      %scan3A_154 = arith.constant 0 : i32
      %scan3A_155 = arith.constant 0 : i32
      %scan3A_156 = arith.constant 256 : i32
      %scan3A_157 = arith.addi %scan3A_155, %scan3A_156 : i32
      %scan3A_158 = arith.constant 1 : i32
      %scan3A_159 = scf.for %scan3A_164 = %scan3A_155 to %scan3A_157 step %scan3A_158 iter_args(%scan3A_165 = %scan3A_154) -> (i32)  : i32 {
        %mul3A_166 = arith.constant 16 : i32
        %mul3A_167 = arith.muli %scan3A_164, %mul3A_166 : i32
        %add3A_168 = vector.broadcast %mul3A_167 : i32 to vector<16xi32>
        %add3A_169 = arith.addi %shift_right_logical3A_86, %add3A_168 : vector<16xi32>
        %gather3A = tpu.vector_load_idx %arg7[%add3A_169] : memref<4096xi32, #tpu.memory_space<vmem>>[vector<16xi32>], vector<16xi32>,
        %mul3A_170 = arith.constant 5 : i32
        %mul3A_171 = vector.broadcast %mul3A_170 : i32 to vector<16xi32>
        %mul3A_172 = arith.muli %gather3A, %mul3A_171 : vector<16xi32>
        %add3A_173 = arith.addi %mul3A_172, %sub3A_90 : vector<16xi32>
        %gather3A_174 = tpu.vector_load_idx %arg12[%add3A_173] : memref<128xf32, #tpu.memory_space<vmem>>[vector<16xi32>], vector<16xf32>,
        %mul3A_175 = arith.constant 80 : i32
        %mul3A_176 = arith.muli %scan3A_164, %mul3A_175 : i32
        %add3A_177 = arith.constant 0 : i32
        %add3A_178 = arith.addi %mul3A_176, %add3A_177 : i32
        %swap3A_179 = arith.index_cast %add3A_178 : i32 to index
        %swap3A_180 = tpu.vector_load %arg8[%swap3A_179] {strides = array<i32>} : memref<20480xf32, #tpu.memory_space<vmem>>, vector<16xf32>,
        tpu.vector_store %arg8[%swap3A_179], %gather3A_174 {strides = array<i32>} : memref<20480xf32, #tpu.memory_space<vmem>>, vector<16xf32>,
        %add3A_181 = vector.broadcast %mul3A_167 : i32 to vector<16xi32>
        %add3A_182 = arith.addi %shift_right_logical3A_99, %add3A_181 : vector<16xi32>
        %gather3A_183 = tpu.vector_load_idx %arg7[%add3A_182] : memref<4096xi32, #tpu.memory_space<vmem>>[vector<16xi32>], vector<16xi32>,
        %mul3A_184 = arith.constant 5 : i32
        %mul3A_185 = vector.broadcast %mul3A_184 : i32 to vector<16xi32>
        %mul3A_186 = arith.muli %gather3A_183, %mul3A_185 : vector<16xi32>
        %add3A_187 = arith.addi %mul3A_186, %sub3A_103 : vector<16xi32>
        %gather3A_188 = tpu.vector_load_idx %arg12[%add3A_187] : memref<128xf32, #tpu.memory_space<vmem>>[vector<16xi32>], vector<16xf32>,
        %mul3A_189 = arith.constant 80 : i32
        %mul3A_190 = arith.muli %scan3A_164, %mul3A_189 : i32
        %add3A_191 = arith.constant 16 : i32
        %add3A_192 = arith.addi %mul3A_190, %add3A_191 : i32
        %swap3A_193 = arith.index_cast %add3A_192 : i32 to index
        %swap3A_194 = tpu.vector_load %arg8[%swap3A_193] {strides = array<i32>} : memref<20480xf32, #tpu.memory_space<vmem>>, vector<16xf32>,
        tpu.vector_store %arg8[%swap3A_193], %gather3A_188 {strides = array<i32>} : memref<20480xf32, #tpu.memory_space<vmem>>, vector<16xf32>,
        %add3A_195 = vector.broadcast %mul3A_167 : i32 to vector<16xi32>
        %add3A_196 = arith.addi %shift_right_logical3A_112, %add3A_195 : vector<16xi32>
        %gather3A_197 = tpu.vector_load_idx %arg7[%add3A_196] : memref<4096xi32, #tpu.memory_space<vmem>>[vector<16xi32>], vector<16xi32>,
        %mul3A_198 = arith.constant 5 : i32
        %mul3A_199 = vector.broadcast %mul3A_198 : i32 to vector<16xi32>
        %mul3A_200 = arith.muli %gather3A_197, %mul3A_199 : vector<16xi32>
        %add3A_201 = arith.addi %mul3A_200, %sub3A_116 : vector<16xi32>
        %gather3A_202 = tpu.vector_load_idx %arg12[%add3A_201] : memref<128xf32, #tpu.memory_space<vmem>>[vector<16xi32>], vector<16xf32>,
        %mul3A_203 = arith.constant 80 : i32
        %mul3A_204 = arith.muli %scan3A_164, %mul3A_203 : i32
        %add3A_205 = arith.constant 32 : i32
        %add3A_206 = arith.addi %mul3A_204, %add3A_205 : i32
        %swap3A_207 = arith.index_cast %add3A_206 : i32 to index
        %swap3A_208 = tpu.vector_load %arg8[%swap3A_207] {strides = array<i32>} : memref<20480xf32, #tpu.memory_space<vmem>>, vector<16xf32>,
        tpu.vector_store %arg8[%swap3A_207], %gather3A_202 {strides = array<i32>} : memref<20480xf32, #tpu.memory_space<vmem>>, vector<16xf32>,
        %add3A_209 = vector.broadcast %mul3A_167 : i32 to vector<16xi32>
        %add3A_210 = arith.addi %shift_right_logical3A_125, %add3A_209 : vector<16xi32>
        %gather3A_211 = tpu.vector_load_idx %arg7[%add3A_210] : memref<4096xi32, #tpu.memory_space<vmem>>[vector<16xi32>], vector<16xi32>,
        %mul3A_212 = arith.constant 5 : i32
        %mul3A_213 = vector.broadcast %mul3A_212 : i32 to vector<16xi32>
        %mul3A_214 = arith.muli %gather3A_211, %mul3A_213 : vector<16xi32>
        %add3A_215 = arith.addi %mul3A_214, %sub3A_129 : vector<16xi32>
        %gather3A_216 = tpu.vector_load_idx %arg12[%add3A_215] : memref<128xf32, #tpu.memory_space<vmem>>[vector<16xi32>], vector<16xf32>,
        %mul3A_217 = arith.constant 80 : i32
        %mul3A_218 = arith.muli %scan3A_164, %mul3A_217 : i32
        %add3A_219 = arith.constant 48 : i32
        %add3A_220 = arith.addi %mul3A_218, %add3A_219 : i32
        %swap3A_221 = arith.index_cast %add3A_220 : i32 to index
        %swap3A_222 = tpu.vector_load %arg8[%swap3A_221] {strides = array<i32>} : memref<20480xf32, #tpu.memory_space<vmem>>, vector<16xf32>,
        tpu.vector_store %arg8[%swap3A_221], %gather3A_216 {strides = array<i32>} : memref<20480xf32, #tpu.memory_space<vmem>>, vector<16xf32>,
        %add3A_223 = vector.broadcast %mul3A_167 : i32 to vector<16xi32>
        %add3A_224 = arith.addi %shift_right_logical3A_138, %add3A_223 : vector<16xi32>
        %gather3A_225 = tpu.vector_load_idx %arg7[%add3A_224] : memref<4096xi32, #tpu.memory_space<vmem>>[vector<16xi32>], vector<16xi32>,
        %mul3A_226 = arith.constant 5 : i32
        %mul3A_227 = vector.broadcast %mul3A_226 : i32 to vector<16xi32>
        %mul3A_228 = arith.muli %gather3A_225, %mul3A_227 : vector<16xi32>
        %add3A_229 = arith.addi %mul3A_228, %sub3A_142 : vector<16xi32>
        %gather3A_230 = tpu.vector_load_idx %arg12[%add3A_229] : memref<128xf32, #tpu.memory_space<vmem>>[vector<16xi32>], vector<16xf32>,
        %mul3A_231 = arith.constant 80 : i32
        %mul3A_232 = arith.muli %scan3A_164, %mul3A_231 : i32
        %add3A_233 = arith.constant 64 : i32
        %add3A_234 = arith.addi %mul3A_232, %add3A_233 : i32
        %swap3A_235 = arith.index_cast %add3A_234 : i32 to index
        %swap3A_236 = tpu.vector_load %arg8[%swap3A_235] {strides = array<i32>} : memref<20480xf32, #tpu.memory_space<vmem>>, vector<16xf32>,
        tpu.vector_store %arg8[%swap3A_235], %gather3A_230 {strides = array<i32>} : memref<20480xf32, #tpu.memory_space<vmem>>, vector<16xf32>,
        %scan3A_237 = arith.constant 0 : i32
        scf.yield %scan3A_237 : i32
      }
      %scan3A_160 = arith.constant 256 : i32
      %mul3A_161 = arith.constant 5 : i32
      %mul3A_162 = arith.muli %add3A_153, %mul3A_161 : i32
      "tpu.region"() ({
        %run_scoped3A = tpu.sem_alloc : memref<!tpu.dma_semaphore, #tpu.memory_space<semaphore_mem>>
        %dma_start3A = tpu.memref_slice %arg6[%mul3A_162] : memref<10485760xf32, #tpu.memory_space<hbm>> -> memref<20480xf32, #tpu.memory_space<hbm>>
        %dma_start3A_164 = tpu.memref_slice %arg6[%mul3A_162] : memref<10485760xf32, #tpu.memory_space<hbm>> -> memref<20480xf32, #tpu.memory_space<hbm>>
        tpu.enqueue_dma source(%arg8 : memref<20480xf32, #tpu.memory_space<vmem>>) target(%dma_start3A_164 : memref<20480xf32, #tpu.memory_space<hbm>>) target_semaphore(%run_scoped3A : memref<!tpu.dma_semaphore, #tpu.memory_space<semaphore_mem>>)
        %dma_wait3A = tpu.memref_slice %arg6[%mul3A_162] : memref<10485760xf32, #tpu.memory_space<hbm>> -> memref<20480xf32, #tpu.memory_space<hbm>>
        %dma_wait3A_165 = tpu.memref_slice %arg6[%mul3A_162] : memref<10485760xf32, #tpu.memory_space<hbm>> -> memref<20480xf32, #tpu.memory_space<hbm>>
        tpu.wait_dma2 semaphore(%run_scoped3A : memref<!tpu.dma_semaphore, #tpu.memory_space<semaphore_mem>>) src(%arg8 : memref<20480xf32, #tpu.memory_space<vmem>>) dst(%dma_wait3A_165 : memref<20480xf32, #tpu.memory_space<hbm>>)
        tpu.yield
      }) : () -> ()
      %scan3A_163 = arith.constant 0 : i32
      scf.yield %scan3A_163 : i32
    }
    %scan3A_148 = arith.constant 16 : i32
    return
  }
}

</mosaic_0001>

<sc_bundles>
// kernel: kernel.3.cloned.1.call-start
scs
__scs_entry_jumppad:
0x0: {  	(pc) =	sbr.rel $0x88, $3  }
0x1: {  	(tag) =	ssettag $0x0;
	lr =	simm.s32 $0x1  }
0x2: {  	[smem:$0x3F9D] =	sst lr;
	_ =	strace $0xD0000000  }
0x3: {  	_ = 	snop  }
0x4: {  	_ = 	snop  }
0x5: {  	_ = 	snop  }
0x6: {  	_ = 	snop  }
0x7: {  	_ = 	snop  }
__scs_overlays_trampoline_lowered:
0x8: {  	[smem:$0x3FAC] =	sst s0  }
0x9: {  	[smem:$0x3FAD] =	sst s1  }
0xa: {  	[smem:$0x3FAE] =	sst s2  }
0xb: {  	[smem:$0x3FAF] =	sst s3  }
0xc: {  	[smem:$0x3FB0] =	sst s4  }
0xd: {  	[smem:$0x3FB1] =	sst s5  }
0xe: {  	[smem:$0x3FB2] =	sst s6  }
0xf: {  	[smem:$0x3FB3] =	sst s7  }
0x10: {  	[smem:$0x3FB4] =	sst s8  }
0x11: {  	[smem:$0x3FB5] =	sst s9;
	s0 =	simm.s32 @!p0 $0x0  }
0x12: {  	s1 =	sld [smem:$0x3F9B];
	s0 =	simm.s32 @p0 $0x1  }
0x13: {  	[smem:$0x3FB6] =	sst s0;
	s0 =	simm.s32 @!p1 $0x0  }
0x14: {  	s2 =	sld [smem:$0x3F9A];
	s0 =	simm.s32 @p1 $0x1  }
0x15: {  	[smem:$0x3FB7] =	sst s0;
	s0 =	simm.s32 @!p2 $0x0  }
0x16: {  	s3 =	sld [smem:$0x3FDB];
	s0 =	simm.s32 @p2 $0x1  }
0x17: {  	s4 =	simm.s32 $0x1BF5;
	[smem:$0x3FB9] =	sst s0  }
0x18: {  	s0 =	sld [smem:$0x3F9C];
	_ =	swait.ge [sflag:s4], $0x0  }
0x19: {  	s7 =	sld [smem:$0x3F9D]  }
0x1a: {  	s8 =	sadd.s32 $0xFFFFE003, lr  }
0x1b: {  	s9 =	sadd.s32 $0xFFFFFEF7, lr;
	s5 =	simm.s32 $0xFFFFFFFF;
	p2 =	slt.u32 s8, $0xFFFFF086  }
0x1c: {  	p1 =	slt.u32 s9, $0xF7A;
	s5 =	simm.s32 @!p2 $0x0  }
0x1d: {  	s5 =	simm.s32 @p1 $0x1;
	p0 =	seq.s32 s7, s2  }
0x1e: {  	s7 =	smul.u32 @!p0 $0xF7A, s2;
	p2 =	seq.s32 @!p0 s5, $0x0  }
0x1f: {  	s9 =	smul.u32 $0xF7A, s1;
	s8 =	simm.s32 @!p0 $0x1BF5;
	p2 =	por !p2, p0  }
0x20: {  	[sflag:s8] =	ssyncset.s32 @!p0 $0xFFFFF086;
	s6 =	sadd.s32 @!p0 s3, s7;
	s7 =	simm.s32 @!p0 $0x108  }
0x21: {  	s3 =	sadd.s32 s3, s9;
	s6 =	sadd.s32 @!p0 $0x88, s6;
	s7 =	simm.s32 @p2 $0x1082  }
0x22: {  	[simem:s7], [sflag:s8] =	dma.local @!p0 [hbm:s6], $0xF7A  }
0x23: {  	s9 =	sor.u32 $0xD0000000, s2;
	s6 =	simm.s32 $0x108;
	_ =	swait.ge @!p0 [sflag:s8], $0x0  }
0x24: {  	s3 =	sadd.s32 $0x88, s3;
	s6 =	simm.s32 @!p1 $0x1082;
	[sflag:s4] =	ssyncset.s32 $0xFFFFF086  }
0x25: {  	[simem:s6], [sflag:s4] =	dma.local [hbm:s3], $0xF7A  }
0x26: {  	[smem:$0x3F9D] =	sst s1;
	(tag) =	ssettag s2;
	_ =	strace s9  }
0x27: {  	s1 =	sld [smem:$0x3FAD]  }
0x28: {  	s2 =	sld [smem:$0x3FAE]  }
0x29: {  	s4 =	sld [smem:$0x3FB0]  }
0x2a: {  	p0 =	seq.s32 s5, $0x0;
	s5 =	sld [smem:$0x3FB1]  }
0x2b: {  	s6 =	sld [smem:$0x3FB2]  }
0x2c: {  	s7 =	sld [smem:$0x3FB3]  }
0x2d: {  	s3 =	simm.s32 $0x108;
	s8 =	sld [smem:$0x3FB4]  }
0x2e: {  	s3 =	simm.s32 @!p0 $0x1082;
	s9 =	sld [smem:$0x3FB5]  }
0x2f: {  	lr =	sadd.s32 s0, s3;
	s0 =	sld [smem:$0x3FAC]  }
0x30: {  	s3 =	sld [smem:$0x3FAF]  }
0x31: {  	[smem:$0x3FB8] =	sst s10  }
0x32: {  	s10 =	sld [smem:$0x3FB6];
	_ =	sdelay $0x3  }
0x33: {  	p0 =	seq.s32 s10, $0x1;
	s10 =	sld [smem:$0x3FB8];
	_ =	sdelay $0x3  }
0x34: {  	[smem:$0x3FB8] =	sst s10  }
0x35: {  	s10 =	sld [smem:$0x3FB7];
	_ =	sdelay $0x3  }
0x36: {  	p1 =	seq.s32 s10, $0x1;
	s10 =	sld [smem:$0x3FB8];
	_ =	sdelay $0x3  }
0x37: {  	[smem:$0x3FB8] =	sst s10  }
0x38: {  	s10 =	sld [smem:$0x3FB9]  }
0x39: {  	_ = 	snop;
	(pc) =	sbr.ind lr, $3  }
0x3a: {  	_ = 	snop  }
0x3b: {  	_ = 	snop  }
0x3c: {  	p2 =	seq.s32 s10, $0x1;
	s10 =	sld [smem:$0x3FB8]  }
0x3d: {  	_ =	shalt  }
0x3e: {  	_ =	shalt  }
0x3f: {  	_ =	shalt  }
0x40: {  	_ =	shalt  }
0x41: {  	_ =	shalt  }
0x42: {  	_ =	shalt  }
0x43: {  	_ =	shalt  }
0x44: {  	_ =	shalt  }
0x45: {  	_ =	shalt  }
0x46: {  	_ =	shalt  }
0x47: {  	_ =	shalt  }
0x48: {  	_ =	shalt  }
0x49: {  	_ =	shalt  }
0x4a: {  	_ =	shalt  }
0x4b: {  	_ =	shalt  }
0x4c: {  	_ =	shalt  }
0x4d: {  	_ =	shalt  }
0x4e: {  	_ =	shalt  }
0x4f: {  	_ =	shalt  }
0x50: {  	_ =	shalt  }
0x51: {  	_ =	shalt  }
0x52: {  	_ =	shalt  }
0x53: {  	_ =	shalt  }
0x54: {  	_ =	shalt  }
0x55: {  	_ =	shalt  }
0x56: {  	_ =	shalt  }
0x57: {  	_ =	shalt  }
0x58: {  	_ =	shalt  }
0x59: {  	_ =	shalt  }
0x5a: {  	_ =	shalt  }
0x5b: {  	_ =	shalt  }
0x5c: {  	_ =	shalt  }
0x5d: {  	_ =	shalt  }
0x5e: {  	_ =	shalt  }
0x5f: {  	_ =	shalt  }
0x60: {  	_ =	shalt  }
0x61: {  	_ =	shalt  }
0x62: {  	_ =	shalt  }
0x63: {  	_ =	shalt  }
0x64: {  	_ =	shalt  }
0x65: {  	_ =	shalt  }
0x66: {  	_ =	shalt  }
0x67: {  	_ =	shalt  }
0x68: {  	_ =	shalt  }
0x69: {  	_ =	shalt  }
0x6a: {  	_ =	shalt  }
0x6b: {  	_ =	shalt  }
0x6c: {  	_ =	shalt  }
0x6d: {  	_ =	shalt  }
0x6e: {  	_ =	shalt  }
0x6f: {  	_ =	shalt  }
0x70: {  	_ =	shalt  }
0x71: {  	_ =	shalt  }
0x72: {  	_ =	shalt  }
0x73: {  	_ =	shalt  }
0x74: {  	_ =	shalt  }
0x75: {  	_ =	shalt  }
0x76: {  	_ =	shalt  }
0x77: {  	_ =	shalt  }
0x78: {  	_ =	shalt  }
0x79: {  	_ =	shalt  }
0x7a: {  	_ =	shalt  }
0x7b: {  	_ =	shalt  }
0x7c: {  	_ =	shalt  }
0x7d: {  	_ =	shalt  }
0x7e: {  	_ =	shalt  }
0x7f: {  	_ =	shalt  }
0x80: {  	_ =	shalt  }
0x81: {  	_ =	shalt  }
0x82: {  	_ =	shalt  }
0x83: {  	_ =	shalt  }
0x84: {  	_ =	shalt  }
0x85: {  	_ =	shalt  }
0x86: {  	_ =	shalt  }
0x87: {  	_ =	shalt  }
.Lfunc_end0:
.L_simem_size_0:
called_computation.1_lowered:
.L_overlay_start_0:
0x88: {  	s2 =	sld [smem:$0x3FD9]  }
0x89: {  	s3 =	sld [smem:$0x3FFE];
	_ =	sdelay $0x1  }
0x8a: {  	s1 =	srdreg.scid  }
0x8b: {  	s0 =	sand.u32 $0x1, s1  }
0x8c: {  	s17 =	sshll.u32 s0, $0xA;
	s2 =	sadd.s32 s3, s2  }
0x8d: {  	s2 =	sadd.s32 s2, s17  }
0x8e: {  	[smem:$0x3FC4] =	sst s2  }
0x8f: {  	_ = 	snop  }
0x90: {  	s2 =	sld [smem:$0x3FD0];
	(tm) =	ssettm $0x1  }
0x91: {  	s18 =	sld [smem:$0x3FFB];
	_ =	sdelay $0x3  }
0x92: {  	_ =	strace s18  }
0x93: {  	s3 =	sld [smem:$0x3FFC];
	_ =	sdelay $0x3  }
0x94: {  	_ =	strace s3  }
0x95: {  	s3 =	sld [smem:$0x3FFD];
	_ =	sdelay $0x3  }
0x96: {  	_ =	strace s3  }
0x97: {  	_ =	strace $0x8FFFFFFF  }
0x98: {  	s19 =	sld [smem:$0x3FDB];
	_ =	sdelay $0x1  }
0x99: {  	s4 =	simm.s32 $_scs_section_size  }
0x9a: {  	s5 =	simm.s32 $_size__tile_overlayer_lowered;
	s6 =	simm.s32 $_tile_overlayer_lowered  }
0x9b: {  	s22 =	simm.s32 $0x1BFF;
	s21 =	sshll.u32 s6, $0x1;
	s3 =	sadd.s32 s4, s19  }
0x9c: {  	s7 =	simm.s32 $0x0;
	s20 =	sshll.u32 s5, $0x1;
	s5 =	sadd.s32 s21, s3  }
0x9d: {  	[timem:s7], [sflag:s22] =	dma.local [hbm:s5], s20  }
0x9e: {  	_ =	swait.ge [sflag:s22], s20  }
0x9f: {  	s4 =	ssub.s32 $0x0, s20;
	[sflag:s22] =	ssyncset.done $0x0  }
0xa0: {  	[sflag:s22] =	ssyncadd.s32 s4;
	_ =	sdelay $0x1  }
0xa1: {  	s23 =	simm.s32 $0x1B8B  }
0xa2: {  	_ =	swait.ge [sflag:s23], $0x1  }
0xa3: {  	[sflag:s23] =	ssyncset.done $0x0  }
0xa4: {  	s25 =	simm.s32 $0x1B8E;
	s24 =	sld [smem:$0x3FFE];
	[sflag:s23] =	ssyncadd.s32 $0xFFFFFFFF  }
0xa5: {  	s26 =	simm.s32 $execute0_lowered;
	[smem:$0x3FD2] =	sst s25  }
0xa6: {  	s5 =	sshll.u32 s26, $0x1;
	_ =	strace $0x80000046;
	[dreg:$0x1] =	wrdreg $0xFFFFFFFF  }
0xa7: {  	s28 =	simm.s32 $_size_execute0_lowered;
	s3 =	sadd.s32 s3, s5;
	[dreg:$0x0] =	wrdreg $0x0  }
0xa8: {  	s5 =	sshll.u32 s28, $0x1;
	[dreg:$0x2] =	wrdreg s3  }
0xa9: {  	[dreg:$0x3] =	wrdreg s5  }
0xaa: {  	[dreg:$0x4] =	wrdreg $0xC0  }
0xab: {  	_ =	task [dreg:s7], $0x5FFFF  }
0xac: {  	[dreg:$0x1] =	wrdreg $0xFFFFFFFF  }
0xad: {  	[dreg:$0x0] =	wrdreg $0x60  }
0xae: {  	[dreg:$0x2] =	wrdreg s24  }
0xaf: {  	[dreg:$0x3] =	wrdreg s2  }
0xb0: {  	[dreg:$0x4] =	wrdreg $0x9  }
0xb1: {  	_ =	task.clear_ibuf [dreg:s7], $0x5FFFF;
	_ =	strace $0x90000046  }
0xb2: {  	s29 =	simm.s32 $0x9;
	_ =	strace $0x80000048  }
0xb3: {  	_ =	swait.ge [sflag:s29], $0x1  }
0xb4: {  	[sflag:s29] =	ssyncadd.s32 $0xFFFFFFFF  }
0xb5: {  	_ =	strace $0x90000048  }
0xb6: {  	_ =	sfence  }
0xb7: {  	s30 =	sld [smem:$0x0];
	_ =	sdelay $0x2  }
0xb8: {  	s31 =	sshll.u32 s1, $0xD;
	s1 =	sshrl.u32 s1, $0x2  }
0xb9: {  	s3 =	sand.u32 $0x4000, s31;
	s1 =	sadd.s32 s1, s30  }
0xba: {  	s0 =	sor.u32 s3, s0;
	s1 =	sshll.u32 s1, $0x11  }
0xbb: {  	s0 =	sor.u32 s1, s0  }
0xbc: {  	s0 =	sadd.s32 $0x8F2B, s0  }
0xbd: {  	[sflag:s0] =	ssyncadd.remote.s32 $0x1  }
0xbe: {  	_ =	sfence.sel $0xFFFF  }
0xbf: {  	[dreg:$0x0] =	wrdreg $0xFFFFFFFF;
	(pc) =	sbr.abs _section_cstart, $3  }
0xc0: {  	[dreg:$0x1] =	wrdreg $0xFFFFFFFF  }
0xc1: {  	_ =	task.clear_ibuf [dreg:s7], $0x2FFFF;
	_ =	strace $0x9FFFFFFF  }
0xc2: {  	(tm) =	ssettm $0x7FFFFFFF  }
0xc3: {  	_ =	shalt  }
tec
execute0_lowered:
.L_overlay_start_1:
0x0: {  	(tag) =	ssettag $0x1  }
0x1: {  	v0 =	vimm.s32 $0x21043213  }
0x2: {  	v1 =	vimm.s32 $0xEAA55400;
	v2 =	vimm.s32 $0x4321040;
	v0 =	vunpack.c.l.s4.s8 v0  }
0x3: {  	vm1 =	vcmask $0x2304;
	v1 =	vunpack.c.l.s2.s4 v1;
	v2 =	vunpack.c.l.s4.s8 v2  }
0x4: {  	vm0 =	vcmask $0x3F24;
	v3 =	vimm.s32 $0x6;
	v0 =	vunpack.c.0.s8.s32 v0  }
0x5: {  	vm3 =	vcmask $0xF00;
	v7 =	vunpack.c.l.s4.s8 v1;
	v1 =	vunpack.c.0.s8.s32 v2  }
0x6: {  	v4 =	vimm.s32 $0x7060606;
	v2 =	vimm.s32 $0x32104324;
	v0 =	vnsel vm1, $0x0, v0  }
0x7: {  	v0 =	vsel vm0, v1, v0;
	v1 =	vunpack.c.l.s4.s8 v2;
	v2 =	vimm.s32 $0x10432100  }
0x8: {  	vm2 =	vcmask $0x2310;
	vm10 =	vcmask $0x3724;
	v2 =	vunpack.c.l.s4.s8 v2  }
0x9: {  	v3 =	vsel vm3, $0x3, v3;
	v4 =	vunpack.c.0.s8.s32 v4;
	v1 =	vunpack.c.0.s8.s32 v1  }
0xa: {  	v5 =	vsel vm2, $0x4, v3;
	v3 =	vimm.s32 $0x43210430;
	v2 =	vunpack.c.0.s8.s32 v2  }
0xb: {  	vm11 =	vcmask $0x1F10;
	v3 =	vunpack.c.l.s4.s8 v3;
	v1 =	vnsel vm1, $0x1, v1  }
0xc: {  	v1 =	vsel vm0, v2, v1;
	v2 =	vnsel vm3, $0x9, v4;
	v4 =	vimm.s32 $0x21043210  }
0xd: {  	v6 =	vsel vm11, $0x7, v2;
	v2 =	vunpack.c.l.s4.s8 v4;
	v4 =	vimm.s32 $0x4321041  }
0xe: {  	v9 =	vunpack.c.0.s8.s32 v3;
	v3 =	vunpack.c.l.s4.s8 v4;
	v4 =	vimm.s32 $0x32104320  }
0xf: {  	s6 =	rddreg [dreg:$0x0];
	v8 =	vimm.s32 $0xBAAAAA99;
	vm12 =	vcmask $0x3320;
	v4 =	vunpack.c.l.s4.s8 v4  }
0x10: {  	s1 =	rddreg [dreg:$0x1];
	v11 =	vimm.s32 $0x10432102;
	v2 =	vunpack.c.0.s8.s32 v2;
	v3 =	vunpack.c.0.s8.s32 v3  }
0x11: {  	s0 =	rddreg [dreg:$0x2];
	v8 =	vunpack.c.l.s4.s8 v8;
	v10 =	vnsel vm1, $0x2, v9;
	v4 =	vunpack.c.0.s8.s32 v4  }
0x12: {  	s2 =	simm.s32 $0x0;
	s4 =	srdreg.scid;
	s11 =	simm.s32 $0x1;
	v2 =	vsel vm0, v2, v10;
	v10 =	vimm.s32 $0xEEDDDDDC;
	v3 =	vnsel vm1, $0x3, v3  }
0x13: {  	s12 =	simm.s32 $0x6080;
	s13 =	simm.s32 $0x6100;
	s14 =	simm.s32 $0x6180;
	v8 =	vunpack.c.0.s8.s32 v8;
	v10 =	vunpack.c.l.s4.s8 v10;
	v3 =	vsel vm0, v4, v3  }
0x14: {  	s15 =	simm.s32 $0x1000;
	s16 =	simm.s32 $0x0;
	[smem:$0x7FF] =	sst s2;
	v4 =	vsel vm10, $0x5, v5;
	v5 =	vsel vm12, $0x8, v6;
	v6 =	vunpack.c.l.s4.s8 v11  }
0x15: {  	vm13 =	vcmask $0x1F00;
	s3 =	sadd.s32 $0xC00, s6;
	s8 =	sand.u32 $0x1, s4;
	s4 =	sadd.s32 $0x800, s6;
	v8 =	vand.u32 $0xF, v8;
	v10 =	vunpack.c.0.s8.s32 v10  }
0x16: {  	vm14 =	vcmask $0x2F20;
	s5 =	sadd.s32 $0xA00, s6;
	s7 =	sadd.s32 $0x40C00, s6;
	s9 =	ssub.s32 $0x2, s8;
	v8 =	vnsel vm13, $0xC, v8;
	v11 =	vunpack.c.0.s8.s32 v6  }
0x17: {  	s6 =	stileid.u32;
	_ =	strace $0x80000047;
	s10 =	sshrl.u32 s9, $0x1;
	v7 =	vunpack.c.0.s8.s32 v7;
	v6 =	vsel vm14, $0xB, v8;
	v8 =	vand.u32 $0xF, v10  }
0x18: {  	vm15 =	vcmask $0x2B20;
	s31 =	sshll.u32 s6, $0x11;
	s8 =	sshll.u32 s8, $0x10;
	s9 =	ssub.s32 s9, s10;
	v8 =	vnsel vm13, $0xF, v8;
	v10 =	vnsel vm1, $0x4, v11  }
0x19: {  	s8 =	sor.u32 s8, s31;
	s10 =	simm.s32 $0x6000;
	s9 =	smax.u32 s9, $0x1;
	v7 =	vand.u32 $0x3, v7;
	v8 =	vsel vm15, $0xE, v8;
	v9 =	vsel vm0, v9, v10  }
.LBB2_1:
0x1a: {  	[tilespmem:s10], [sflag:$0x1] =	stream.linear.gather [hbm4b:s4+s2], $0x80, $0x38;
	[tilespmem:$0x6200] =	vst v63  }
0x1b: {  	_ =	swait.ge [sflag:s11], $0x80  }
0x1c: {  	[sflag:s11] =	ssyncset.done $0x0  }
0x1d: {  	[sflag:s11] =	ssyncadd.s32 $0xFFFFFF80  }
0x1e: {  	[tilespmem:s12], [sflag:$0x1] =	stream.linear.gather [hbm4b:s5+s2], $0x80, $0x38;
	[tilespmem:$0x6200] =	vst v63  }
0x1f: {  	_ =	swait.ge [sflag:s11], $0x80  }
0x20: {  	[sflag:s11] =	ssyncset.done $0x0  }
0x21: {  	[sflag:s11] =	ssyncadd.s32 $0xFFFFFF80  }
0x22: {  	[tilespmem:s13], [sflag:$0x1] =	stream.linear.gather [hbm4b:s7+s2], $0x80, $0x38;
	[tilespmem:$0x6200] =	vst v63  }
0x23: {  	_ =	swait.ge [sflag:s11], $0x80  }
0x24: {  	[sflag:s11] =	ssyncset.done $0x0  }
0x25: {  	[sflag:s11] =	ssyncadd.s32 $0xFFFFFF80  }
0x26: {  	v10 =	vld [tilespmem:$0x6000]  }
0x27: {  	v11 =	vld [tilespmem:$0x6080]  }
0x28: {  	v12 =	vld [tilespmem:$0x6100]  }
0x29: {  	v13 =	vld [tilespmem:$0x6010]  }
0x2a: {  	v14 =	vld [tilespmem:$0x6090]  }
0x2b: {  	v15 =	vld [tilespmem:$0x6110]  }
0x2c: {  	v16 =	vld [tilespmem:$0x6020]  }
0x2d: {  	v17 =	vld [tilespmem:$0x60A0]  }
0x2e: {  	v18 =	vld [tilespmem:$0x6120]  }
0x2f: {  	v19 =	vld [tilespmem:$0x6030]  }
0x30: {  	v20 =	vld [tilespmem:$0x60B0]  }
0x31: {  	v21 =	vld [tilespmem:$0x6130]  }
0x32: {  	v22 =	vld [tilespmem:$0x6140]  }
0x33: {  	v46 =	vld [tilespmem:$0x6150];
	(erf) = vrcp.f32 v12  }
0x34: {  	v47 =	vld [tilespmem:$0x6160];
	(erf) = vrcp.f32 v15  }
0x35: {  	v48 =	vld [tilespmem:$0x6170];
	(erf) = vrcp.f32 v18  }
0x36: {  	v49 =	vld [tilespmem:$0x6040];
	(erf) = vrcp.f32 v21  }
0x37: {  	v23 =	vld [tilespmem:$0x60C0];
	(erf) = vrcp.f32 v22  }
0x38: {  	v50 =	vld [tilespmem:$0x6050];
	(erf) = vrcp.f32 v46  }
0x39: {  	v52 =	vld [tilespmem:$0x6060];
	(erf) = vrcp.f32 v47  }
0x3a: {  	v10 =	vsub.f32 v10, v11;
	v11 =	vld [tilespmem:$0x60E0];
	(erf) = vrcp.f32 v48  }
0x3b: {  	v51 =	vld [tilespmem:$0x60D0]  }
0x3c: {  	v54 =	vld [tilespmem:$0x6070];
	v13 =	vsub.f32 v13, v14;
	v53 =	vpop (erf)  }
0x3d: {  	v55 =	vld [tilespmem:$0x60F0];
	v16 =	vsub.f32 v16, v17;
	v24 =	vpop (erf);
	v10 =	vmul.f32 v53, v10  }
0x3e: {  	v19 =	vsub.f32 v19, v20;
	v56 =	vpop (erf);
	v13 =	vmul.f32 v24, v13  }
0x3f: {  	v58 =	vsub.f32 v49, v23;
	v11 =	vsub.f32 v52, v11;
	v57 =	vpop (erf);
	[tilespmem:$0x6180] =	vst v10;
	v10 =	vmul.f32 v56, v16  }
0x40: {  	v12 =	vsub.f32 v50, v51;
	v59 =	vpop (erf);
	[tilespmem:$0x6190] =	vst v13;
	v60 =	vmul.f32 v57, v19  }
0x41: {  	v61 =	vpop (erf);
	[tilespmem:$0x61A0] =	vst v10;
	v10 =	vmul.f32 v59, v58  }
0x42: {  	v63 =	vsub.f32 v54, v55;
	v62 =	vpop (erf);
	[tilespmem:$0x61B0] =	vst v60;
	v12 =	vmul.f32 v61, v12  }
0x43: {  	[tilespmem:$0x61C0] =	vst v10;
	v10 =	vmul.f32 v62, v11;
	v11 =	vpop (erf)  }
0x44: {  	[tilespmem:$0x61D0] =	vst v12;
	v11 =	vmul.f32 v11, v63  }
0x45: {  	[tilespmem:$0x61E0] =	vst v10  }
0x46: {  	s17 =	simm.s32 $0x0;
	[tilespmem:$0x61F0] =	vst v11  }
.LBB2_2:
0x47: {  	s18 =	sshll.u32 s17, $0xC  }
0x48: {  	s18 =	sadd.s32 s8, s18  }
0x49: {  	s19 =	sshrl.u32 s18, $0x3  }
0x4a: {  	s20 =	sadd.s32 s3, s19;
	s19 =	simm.s32 $0x0  }
0x4b: {  	[tilespmem:s19], [sflag:$0x1] =	stream.linear.gather [hbm4b:s20+s19], $0x1000, $0x38;
	[tilespmem:$0x6200] =	vst v63  }
0x4c: {  	_ =	swait.ge [sflag:s11], $0x1000  }
0x4d: {  	[sflag:s11] =	ssyncset.done $0x0  }
0x4e: {  	s20 =	simm.s32 $0x1020;
	[sflag:s11] =	ssyncadd.s32 $0xFFFFF000  }
.LBB2_3:
0x4f: {  	v10 =	vor.u32 s19, v7;
	_ =	sdelay $0x4  }
0x50: {  	v10 =	vld.idx.msk [tilespmem:v10+s2+$0x0], $0xffff;
	_ =	sdelay $0x4  }
0x51: {  	v10 =	vmul.u32 $0x5, v10;
	_ =	sdelay $0x1  }
0x52: {  	v10 =	vadd.s32 v0, v10;
	_ =	sdelay $0x4  }
0x53: {  	v10 =	vld.idx.msk [tilespmem:v10+s14+$0x0], $0xffff  }
0x54: {  	v11 =	vor.u32 s19, v4;
	_ =	sdelay $0x3  }
0x55: {  	[tilespmem:s20+$0xFFFFFFE0] =	vst v10  }
0x56: {  	v10 =	vld.idx.msk [tilespmem:v11+s2+$0x0], $0xffff;
	_ =	sdelay $0x4  }
0x57: {  	v10 =	vmul.u32 $0x5, v10;
	_ =	sdelay $0x1  }
0x58: {  	v10 =	vadd.s32 v1, v10;
	_ =	sdelay $0x4  }
0x59: {  	v10 =	vld.idx.msk [tilespmem:v10+s14+$0x0], $0xffff  }
0x5a: {  	v11 =	vor.u32 s19, v5;
	_ =	sdelay $0x3  }
0x5b: {  	[tilespmem:s20+$0xFFFFFFF0] =	vst v10  }
0x5c: {  	v10 =	vld.idx.msk [tilespmem:v11+s2+$0x0], $0xffff;
	_ =	sdelay $0x4  }
0x5d: {  	v10 =	vmul.u32 $0x5, v10;
	_ =	sdelay $0x1  }
0x5e: {  	v10 =	vadd.s32 v2, v10;
	_ =	sdelay $0x4  }
0x5f: {  	v10 =	vld.idx.msk [tilespmem:v10+s14+$0x0], $0xffff  }
0x60: {  	v11 =	vor.u32 s19, v6;
	_ =	sdelay $0x3  }
0x61: {  	[tilespmem:s20+$0x0] =	vst v10  }
0x62: {  	v10 =	vld.idx.msk [tilespmem:v11+s2+$0x0], $0xffff;
	_ =	sdelay $0x4  }
0x63: {  	v10 =	vmul.u32 $0x5, v10;
	_ =	sdelay $0x1  }
0x64: {  	v10 =	vadd.s32 v3, v10;
	_ =	sdelay $0x4  }
0x65: {  	v10 =	vld.idx.msk [tilespmem:v10+s14+$0x0], $0xffff  }
0x66: {  	v11 =	vor.u32 s19, v8;
	_ =	sdelay $0x3  }
0x67: {  	[tilespmem:s20+$0x10] =	vst v10  }
0x68: {  	v10 =	vld.idx.msk [tilespmem:v11+s2+$0x0], $0xffff;
	_ =	sdelay $0x4  }
0x69: {  	v10 =	vmul.u32 $0x5, v10;
	_ =	sdelay $0x1  }
0x6a: {  	v10 =	vadd.s32 v9, v10;
	_ =	sdelay $0x4  }
0x6b: {  	p0 =	sne.s32 s19, $0xFF0;
	v10 =	vld.idx.msk [tilespmem:v10+s14+$0x0], $0xffff  }
.Ltmp0:
0x6c: {  	_ = 	snop;
	(pc) =	sbr.rel @p0 .LBB2_3-.Ltmp0, $2  }
0x6d: {  	_ =	sdelay $0x2  }
0x6e: {  	s19 =	sadd.s32 $0x10, s19;
	[tilespmem:s20+$0x20] =	vst v10;
	s20 =	sadd.s32 $0x50, s20  }
0x6f: {  	s18 =	smul.u32 $0x5, s18  }
0x70: {  	s17 =	sadd.s32 $0x1, s17  }
0x71: {  	p0 =	sne.s32 s17, $0x10;
	s18 =	sshrl.u32 s18, $0x3  }
.Ltmp1:
0x72: {  	s18 =	sadd.s32 s1, s18;
	(pc) =	sbr.rel @p0 .LBB2_2-.Ltmp1, $4  }
0x73: {  	[hbm4b:s18+s2] =	stream.linear.scatter [tilespmem:s15], [sflag:$0x1], $0x5000, $0x38;
	[tilespmem:$0x6200] =	vst v63  }
0x74: {  	_ =	swait.ge [sflag:s11], $0x5000  }
0x75: {  	[sflag:s11] =	ssyncset.done $0x0  }
0x76: {  	[sflag:s11] =	ssyncadd.s32 $0xFFFFB000  }
0x77: {  	s16 =	sadd.s32 $0x1, s16  }
0x78: {  	p0 =	sne.s32 s16, s9  }
.Ltmp2:
0x79: {  	_ = 	snop;
	(pc) =	sbr.rel @p0 .LBB2_1-.Ltmp2, $1  }
0x7a: {  	_ =	sdelay $0x3  }
0x7b: {  	_ =	sfence.sel $0x180000  }
0x7c: {  	[bflag:$0x0] =	sbarrier.arrive $0xFFFF  }
0x7d: {  	p0 =	sne.s32 s6, $0x0;
	_ =	strace $0x90000047  }
0x7e: {  	s0 =	sadd.s32 @!p0 $0x100000, s0;
	[bflag:$0x2] =	sbarrier.arrive $0xFFFF  }
0x7f: {  	[sflag:s0] =	ssyncadd.tile.s32 @!p0 $0x1;
	_ =	shalt  }
.Lfunc_end2:
_tile_overlayer_lowered:
.L_overlay_start_2:
0x80: {  	(tag) =	ssettag $0x2  }
0x81: {  	s0 =	rddreg [dreg:$0x0];
	s2 =	stileid.u32  }
0x82: {  	s1 =	rddreg [dreg:$0x1];
	p0 =	sne.s32 s2, $0x0  }
0x83: {  	s3 =	rddreg [dreg:$0x2];
	[bflag:$0x3] =	sbarrier.arrive $0xFFFF;
	s2 =	simm.s32 @!p0 $0x1C01  }
0x84: {  	[timem:s3], [sflag:s2] =	dma.local @!p0 [hbm:s0], s1  }
0x85: {  	s0 =	simm.s32 @!p0 $0x1  }
0x86: {  	_ =	swait.ge @!p0 [sflag:s0], s1  }
0x87: {  	s1 =	ssub.s32 @!p0 $0x0, s1;
	[sflag:s0] =	ssyncset.done @!p0 $0x0  }
0x88: {  	[sflag:s0] =	ssyncadd.s32 @!p0 s1  }
0x89: {  	[bflag:$0x3] =	sbarrier.arrive $0xFFFF  }
0x8a: {  	_ =	shalt  }

// kernel: sparse-core-data-format-call.cloned.1.call-start
scs
called_computation_lowered:
.L_overlay_start_0:
0x0: {  	s2 =	sld [smem:$0x3FD9]  }
0x1: {  	s3 =	sld [smem:$0x3FFE];
	_ =	sdelay $0x1  }
0x2: {  	s1 =	srdreg.scid  }
0x3: {  	s0 =	sand.u32 $0x1, s1  }
0x4: {  	s18 =	sshll.u32 s0, $0xA;
	s2 =	sadd.s32 s3, s2  }
0x5: {  	s2 =	sadd.s32 s2, s18  }
0x6: {  	[smem:$0x3FC4] =	sst s2  }
0x7: {  	_ = 	snop  }
0x8: {  	s2 =	sld [smem:$0x3FD0];
	(tm) =	ssettm $0x1  }
0x9: {  	s19 =	sld [smem:$0x3FFB];
	_ =	sdelay $0x3  }
0xa: {  	_ =	strace s19  }
0xb: {  	s3 =	sld [smem:$0x3FFC];
	_ =	sdelay $0x3  }
0xc: {  	_ =	strace s3  }
0xd: {  	s3 =	sld [smem:$0x3FFD];
	_ =	sdelay $0x3  }
0xe: {  	_ =	strace s3  }
0xf: {  	_ =	strace $0x8FFFFFFF  }
0x10: {  	s20 =	sld [smem:$0x3FDB];
	_ =	sdelay $0x1  }
0x11: {  	s4 =	simm.s32 $_scs_section_size  }
0x12: {  	s5 =	simm.s32 $_size__tile_overlayer_lowered;
	s6 =	simm.s32 $_tile_overlayer_lowered  }
0x13: {  	s23 =	simm.s32 $0x1BFF;
	s22 =	sshll.u32 s6, $0x1;
	s3 =	sadd.s32 s4, s20  }
0x14: {  	s7 =	simm.s32 $0x0;
	s21 =	sshll.u32 s5, $0x1;
	s5 =	sadd.s32 s22, s3  }
0x15: {  	[timem:s7], [sflag:s23] =	dma.local [hbm:s5], s21  }
0x16: {  	_ =	swait.ge [sflag:s23], s21  }
0x17: {  	s4 =	ssub.s32 $0x0, s21;
	[sflag:s23] =	ssyncset.done $0x0  }
0x18: {  	[sflag:s23] =	ssyncadd.s32 s4;
	_ =	sdelay $0x1  }
0x19: {  	s24 =	simm.s32 $0x1B8B  }
0x1a: {  	_ =	swait.ge [sflag:s24], $0x1  }
0x1b: {  	[sflag:s24] =	ssyncset.done $0x0  }
0x1c: {  	s26 =	simm.s32 $0x1B8E;
	s25 =	sld [smem:$0x3FFE];
	[sflag:s24] =	ssyncadd.s32 $0xFFFFFFFF  }
0x1d: {  	s27 =	simm.s32 $execute0_lowered;
	[smem:$0x3FD2] =	sst s26  }
0x1e: {  	s5 =	sshll.u32 s27, $0x1;
	_ =	strace $0x80000049;
	[dreg:$0x1] =	wrdreg $0xFFFFFFFF  }
0x1f: {  	s28 =	simm.s32 $_size_execute0_lowered;
	s3 =	sadd.s32 s3, s5;
	[dreg:$0x0] =	wrdreg $0x0  }
0x20: {  	s5 =	sshll.u32 s28, $0x1;
	[dreg:$0x2] =	wrdreg s3  }
0x21: {  	[dreg:$0x3] =	wrdreg s5  }
0x22: {  	[dreg:$0x4] =	wrdreg $0xC0  }
0x23: {  	_ =	task [dreg:s7], $0x5FFFF  }
0x24: {  	[dreg:$0x1] =	wrdreg $0xFFFFFFFF  }
0x25: {  	[dreg:$0x0] =	wrdreg $0x60  }
0x26: {  	[dreg:$0x2] =	wrdreg s25  }
0x27: {  	[dreg:$0x3] =	wrdreg s2  }
0x28: {  	[dreg:$0x4] =	wrdreg $0x9  }
0x29: {  	_ =	task.clear_ibuf [dreg:s7], $0x5FFFF;
	_ =	strace $0x90000049  }
0x2a: {  	s29 =	simm.s32 $0x9;
	_ =	strace $0x8000004B  }
0x2b: {  	_ =	swait.ge [sflag:s29], $0x1  }
0x2c: {  	[sflag:s29] =	ssyncadd.s32 $0xFFFFFFFF  }
0x2d: {  	_ =	strace $0x9000004B  }
0x2e: {  	_ =	sfence  }
0x2f: {  	s30 =	sld [smem:$0x0];
	_ =	sdelay $0x2  }
0x30: {  	s31 =	sshll.u32 s1, $0xD;
	s1 =	sshrl.u32 s1, $0x2  }
0x31: {  	s3 =	sand.u32 $0x4000, s31;
	s1 =	sadd.s32 s1, s30  }
0x32: {  	s0 =	sor.u32 s3, s0;
	s1 =	sshll.u32 s1, $0x11  }
0x33: {  	s0 =	sor.u32 s1, s0  }
0x34: {  	s0 =	sadd.s32 $0x8F2B, s0  }
0x35: {  	[sflag:s0] =	ssyncadd.remote.s32 $0x1  }
0x36: {  	_ =	sfence.sel $0xFFFF  }
0x37: {  	[dreg:$0x0] =	wrdreg $0xFFFFFFFF;
	(pc) =	sbr.abs _section_cstart, $3  }
0x38: {  	[dreg:$0x1] =	wrdreg $0xFFFFFFFF  }
0x39: {  	_ =	task.clear_ibuf [dreg:s7], $0x2FFFF;
	_ =	strace $0x9FFFFFFF  }
0x3a: {  	(tm) =	ssettm $0x7FFFFFFF  }
0x3b: {  	_ =	shalt  }
tec
execute0_lowered:
.L_overlay_start_1:
0x0: {  	(tag) =	ssettag $0x1  }
0x1: {  	s9 =	rddreg [dreg:$0x0]  }
0x2: {  	s0 =	srdreg.scid;
	s3 =	rddreg [dreg:$0x1];
	s6 =	simm.s32 $0x1  }
0x3: {  	s7 =	simm.s32 $0x2;
	s17 =	simm.s32 $0x0;
	s1 =	sshll.u32 s0, $0x4  }
0x4: {  	s11 =	simm.s32 $0x200000;
	s0 =	stileid.u32;
	s1 =	sand.u32 $0x10, s1  }
0x5: {  	s18 =	simm.s32 $0x0;
	s12 =	simm.s32 $0x0;
	s1 =	sor.u32 s0, s1  }
0x6: {  	s13 =	simm.s32 $0x0;
	s14 =	simm.s32 $0x0;
	s2 =	sshll.u32 s1, $0x2  }
0x7: {  	s16 =	simm.s32 $0x0;
	s8 =	sadd.s32 $0x4800, s9;
	s5 =	ssub.s32 $0x1000, s2  }
0x8: {  	s1 =	rddreg [dreg:$0x2];
	_ =	strace $0x8000004A;
	s4 =	sand.u32 $0x7C, s5  }
.Ltmp0:
0x9: {  	s15 =	smov.u32 s2;
	p0 =	sne.s32 s4, $0x0;
	(pc) =	sbr.rel .LBB1_1-.Ltmp0, $4  }
0xa: {  	s5 =	sshrl.u32 s5, $0x7;
	s4 =	simm.s32 $0x1;
	s6 =	simm.s32 @!p0 $0x0  }
0xb: {  	[sflag:s4] =	ssyncpa.u1 $0x0;
	p0 =	por $0x0, $0x0;
	s6 =	sadd.s32 s6, s5  }
0xc: {  	s5 =	sadd.s32 $0x800, s9;
	[sflag:s7] =	ssyncpa.u1 $0x0;
	s6 =	sshll.u32 s6, $0x2  }
0xd: {  	s7 =	sadd.s32 $0x2800, s9;
	s9 =	sadd.s32 $0x6800, s9;
	s10 =	sor.u32 $0x1, s6  }
.LBB1_7:
0xe: {  	p1 =	slt.u32 s16, $0x2  }
0xf: {  	s20 =	smov.u32 s18;
	p2 =	sgt.s32 @!p1 s18, $0xFFC;
	s19 =	sshra.s32 @!p1 s18, $0x1F  }
0x10: {  	p3 =	sgt.s32 @!p1 s17, $0x180;
	s21 =	sshra.s32 @!p1 s17, $0x1F;
	p2 =	por !p2, p1  }
0x11: {  	s18 =	sand.u32 @!p1 s19, s18;
	p3 =	por !p3, p1;
	s19 =	smov.u32 s17  }
0x12: {  	s17 =	sand.u32 @!p1 s21, s17;
	s20 =	simm.s32 @p2 $0xFFC;
	s19 =	simm.s32 @p3 $0x180  }
0x13: {  	s21 =	smov.u32 s15;
	s18 =	ssub.s32 @!p1 s20, s18;
	s17 =	ssub.s32 @!p1 s19, s17  }
0x14: {  	s19 =	sadd.s32 @!p1 $0xFFFFF004, s18;
	s18 =	ssub.s32 @!p1 $0x1000, s18;
	s20 =	sadd.s32 @!p1 $0xFFFFFE80, s17  }
0x15: {  	p2 =	sgt.s32 @!p1 s19, $0x3;
	s18 =	smul.u32 @!p1 $0x5, s18;
	p3 =	sgt.s32 @!p1 s20, $0x7F  }
0x16: {  	s17 =	ssub.s32 @!p1 $0x200, s17;
	p2 =	por !p2, p1;
	p3 =	por !p3, p1  }
0x17: {  	s19 =	sadd.s32 $0x80, s14;
	s18 =	simm.s32 @!p2 $0x0;
	s17 =	simm.s32 @!p3 $0x0  }
0x18: {  	p2 =	sgt.s32 s19, $0x1FF;
	s17 =	smul.u32 @!p1 s17, s18;
	s18 =	sadd.s32 $0x80, s15  }
0x19: {  	s21 =	smov.u32 @p2 s18  }
0x1a: {  	s19 =	simm.s32 @p2 $0x0;
	p2 =	sgt.s32 s21, $0xFFF  }
0x1b: {  	s21 =	smov.u32 @p2 s2;
	p2 =	sne.s32 s16, s10  }
.Ltmp1:
0x1c: {  	p0 =	por !p0, !p0;
	s20 =	simm.s32 @!p1 $0x2;
	(pc) =	sbr.rel @!p2 .LBB1_8-.Ltmp1, $4  }
0x1d: {  	s18 =	smov.u32 s13;
	s13 =	smov.u32 s15;
	s17 =	sand.u32 @!p1 $0x3FFFFFFF, s17  }
0x1e: {  	_ =	swait.ge @!p1 [sflag:s20], s17;
	s22 =	ssub.s32 @!p1 $0x0, s17;
	s17 =	smov.u32 s12  }
0x1f: {  	s16 =	sadd.s32 $0x1, s16;
	s12 =	smov.u32 s14;
	[sflag:s20] =	ssyncset.done @!p1 $0x0  }
0x20: {  	s14 =	smov.u32 s19;
	s15 =	smov.u32 s21;
	[sflag:s20] =	ssyncadd.s32 @!p1 s22  }
.LBB1_1:
0x21: {  	p1 =	sge.u32 s16, s6  }
0x22: {  	s19 =	sxor.u32 @!p1 $0xFFFFFFFF, s16  }
0x23: {  	s20 =	sshll.u32 @!p1 s15, $0xD;
	s21 =	sshll.u32 @!p1 s14, $0x4;
	s23 =	simm.s32 @!p1 $0x20  }
0x24: {  	s19 =	sshll.u32 @!p1 s19, $0xE;
	s21 =	sand.u32 @!p1 $0x1FF0, s21;
	s22 =	sadd.s32 @!p1 s5, s20  }
0x25: {  	s24 =	simm.s32 @!p1 $0x80;
	s19 =	sand.u32 @!p1 $0x4000, s19;
	s22 =	sadd.s32 @!p1 s21, s22  }
0x26: {  	[tilespmem:s19], [sflag:$0x1] =	stream.strided.gather @!p1 [hbm4b:s22+s23], $0x1000, s24, s23, $0x38;
	[tilespmem:$0x10100] =	vst v63  }
0x27: {  	s22 =	sadd.s32 @!p1 s20, s7  }
0x28: {  	s25 =	sor.u32 @!p1 $0x1000, s19;
	s22 =	sadd.s32 @!p1 s21, s22  }
0x29: {  	[tilespmem:s25], [sflag:$0x1] =	stream.strided.gather @!p1 [hbm4b:s22+s23], $0x1000, s24, s23, $0x38;
	[tilespmem:$0x10100] =	vst v63  }
0x2a: {  	s22 =	sadd.s32 @!p1 s20, s8  }
0x2b: {  	s25 =	sor.u32 @!p1 $0x2000, s19;
	s20 =	sadd.s32 @!p1 s20, s9;
	s22 =	sadd.s32 @!p1 s21, s22  }
0x2c: {  	[tilespmem:s25], [sflag:$0x1] =	stream.strided.gather @!p1 [hbm4b:s22+s23], $0x1000, s24, s23, $0x38;
	[tilespmem:$0x10100] =	vst v63  }
0x2d: {  	s31 =	sadd.s32 $0xFFFFFFFF, s16;
	s19 =	sor.u32 @!p1 $0x3000, s19;
	s20 =	sadd.s32 @!p1 s21, s20  }
0x2e: {  	[tilespmem:s19], [sflag:$0x1] =	stream.strided.gather @!p1 [hbm4b:s20+s23], $0x1000, s24, s23, $0x38;
	[tilespmem:$0x10100] =	vst v63  }
0x2f: {  	p1 =	sge.u32 s31, s6  }
.Ltmp2:
0x30: {  	_ = 	snop;
	(pc) =	sbr.rel @p1 .LBB1_7-.Ltmp2, $1  }
0x31: {  	_ =	sdelay $0x3  }
0x32: {  	s19 =	simm.s32 $0x1;
	s21 =	sand.u32 $0x1, s16  }
0x33: {  	_ =	swait.ge [sflag:s4], $0x4000;
	s19 =	simm.s32 @!p0 $0x0;
	s22 =	smul.u32 $0x10200, s21  }
0x34: {  	[sflag:s4] =	ssyncset.done $0x0;
	s20 =	smul.u32 $0x10200, s19  }
0x35: {  	s19 =	sshll.u32 s19, $0xE;
	[sflag:s4] =	ssyncadd.s32 $0xFFFFC000  }
0x36: {  	s21 =	sor.u32 $0x10, s19;
	s31 =	sshrl.u32 s22, $0x2;
	s20 =	sshrl.u32 s20, $0x2  }
0x37: {  	s22 =	simm.s32 $0x0;
	s19 =	sor.u32 $0x8000, s31;
	s20 =	sor.u32 $0x8000, s20  }
.LBB1_3:
0x38: {  	v1 =	vld [tilespmem:s21+$0x0]  }
0x39: {  	v0 =	vld [tilespmem:s21+$0xFFFFFFF0];
	_ =	sdelay $0x2  }
0x3a: {  	s25 =	sadd.s32 $0x0, s20  }
0x3b: {  	s23 =	simm.s32 $0x4;
	s24 =	sadd.s32 $0x20, s21;
	[tilespmem:s25+$0x2040 ss:$0x204] =	vst.msk $0xffff, v1  }
.LBB1_4:
0x3c: {  	v1 =	vld [tilespmem:s24+$0x0];
	p1 =	sne.s32 s23, $0x1FC;
	[tilespmem:s25+$0x0 ss:$0x204] =	vst.msk $0xffff, v0;
	s25 =	smov.u32 s23;
	s23 =	sadd.s32 $0x4, s23  }
.Ltmp3:
0x3d: {  	v0 =	vld [tilespmem:s24+$0xFFFFFFF0];
	(pc) =	sbr.rel @p1 .LBB1_4-.Ltmp3, $4  }
0x3e: {  	_ = 	snop  }
0x3f: {  	s25 =	sshra.s32 s25, $0x2  }
0x40: {  	s25 =	sadd.s32 s25, s20  }
0x41: {  	s24 =	sadd.s32 $0x20, s24;
	[tilespmem:s25+$0x2040 ss:$0x204] =	vst.msk $0xffff, v1  }
0x42: {  	s22 =	sadd.s32 $0x1, s22  }
0x43: {  	p1 =	sne.s32 s22, $0x4  }
.Ltmp4:
0x44: {  	_ = 	snop;
	(pc) =	sbr.rel @p1 .LBB1_3-.Ltmp4, $2  }
0x45: {  	_ =	sdelay $0x2  }
0x46: {  	[tilespmem:s25+$0x0 ss:$0x204] =	vst.msk $0xffff, v0;
	s20 =	sadd.s32 $0x81, s20;
	s21 =	sadd.s32 $0x1000, s21  }
0x47: {  	p1 =	sgt.s32 s13, $0xFFC  }
0x48: {  	s20 =	smov.u32 s13;
	s21 =	sshra.s32 s13, $0x1F;
	s22 =	sshll.u32 s13, $0x9  }
0x49: {  	s23 =	sshll.u32 s12, $0x3;
	s24 =	sshra.s32 s12, $0x1F;
	s25 =	sand.u32 $0x78, s12  }
0x4a: {  	s30 =	sshll.u32 s13, $0x7;
	s20 =	simm.s32 @!p1 $0xFFC;
	s21 =	sand.u32 s21, s13  }
0x4b: {  	s22 =	sand.u32 $0x1FF000, s22;
	p1 =	sgt.s32 s12, $0x180;
	s24 =	sand.u32 s24, s12  }
0x4c: {  	s20 =	ssub.s32 s20, s21;
	s27 =	sadd.s32 s22, s23;
	s23 =	smov.u32 s12  }
0x4d: {  	s28 =	sadd.s32 $0xFFFFF004, s20;
	s20 =	ssub.s32 $0x1000, s20;
	s23 =	simm.s32 @!p1 $0x180  }
0x4e: {  	s21 =	sand.u32 $0x1FFC00, s27;
	s20 =	smul.u32 $0x5, s20;
	s29 =	ssub.s32 s23, s24  }
0x4f: {  	p1 =	sgt.s32 s28, $0x3;
	s23 =	sand.u32 $0x380, s30;
	s24 =	sadd.s32 $0xFFFFFE80, s29  }
0x50: {  	s22 =	ssub.s32 $0x200, s29;
	s20 =	simm.s32 @p1 $0x0;
	p1 =	sgt.s32 s24, $0x7F  }
.Ltmp5:
0x51: {  	s23 =	sor.u32 s23, s25;
	s22 =	simm.s32 @p1 $0x0;
	(pc) =	sbr.rel .LBB1_7-.Ltmp5, $4  }
0x52: {  	s31 =	sand.u32 $0x7, s12;
	s21 =	sor.u32 s21, s23;
	s20 =	smul.u32 s22, s20  }
0x53: {  	s21 =	sshrl.u32 s21, $0x3;
	s22 =	sshll.u32 s31, $0x12  }
0x54: {  	s21 =	sadd.s32 s3, s21;
	s22 =	sor.u32 $0x200, s22;
	s20 =	sand.u32 $0x3FFFFFFF, s20  }
0x55: {  	[hbm4b:s21+s22] =	stream.strided.scatter [tilespmem:s19], [sflag:$0x2], s20, s11, s22, $0x20;
	[tilespmem:$0x10100] =	vst v63  }
.LBB1_8:
0x56: {  	_ =	sfence.sel $0x180000  }
0x57: {  	s2 =	simm.s32 $0x1;
	[bflag:$0x0] =	sbarrier.arrive $0xFFFF  }
0x58: {  	s31 =	simm.s32 $0x2;
	[sflag:s2] =	ssyncpa.u1 $0x1  }
0x59: {  	[sflag:s31] =	ssyncpa.u1 $0x1  }
0x5a: {  	p0 =	sne.s32 s0, $0x0;
	_ =	strace $0x9000004A  }
0x5b: {  	s0 =	sadd.s32 @!p0 $0x100000, s1;
	[bflag:$0x2] =	sbarrier.arrive $0xFFFF  }
0x5c: {  	[sflag:s0] =	ssyncadd.tile.s32 @!p0 $0x1;
	_ =	shalt  }
.Lfunc_end1:
_tile_overlayer_lowered:
.L_overlay_start_2:
0x5d: {  	(tag) =	ssettag $0x2  }
0x5e: {  	s0 =	rddreg [dreg:$0x0];
	s2 =	stileid.u32  }
0x5f: {  	s1 =	rddreg [dreg:$0x1];
	p0 =	sne.s32 s2, $0x0  }
0x60: {  	s3 =	rddreg [dreg:$0x2];
	[bflag:$0x3] =	sbarrier.arrive $0xFFFF;
	s2 =	simm.s32 @!p0 $0x1C01  }
0x61: {  	[timem:s3], [sflag:s2] =	dma.local @!p0 [hbm:s0], s1  }
0x62: {  	s0 =	simm.s32 @!p0 $0x1  }
0x63: {  	_ =	swait.ge @!p0 [sflag:s0], s1  }
0x64: {  	s1 =	ssub.s32 @!p0 $0x0, s1;
	[sflag:s0] =	ssyncset.done @!p0 $0x0  }
0x65: {  	[sflag:s0] =	ssyncadd.s32 @!p0 s1  }
0x66: {  	[bflag:$0x3] =	sbarrier.arrive $0xFFFF  }
0x67: {  	_ =	shalt  }

</sc_bundles>
